<compile_context>
chip_gen: v7x
topology: tpu7x:2x2x1
jax: 0.10.2.dev20260603
libtpu: 0.0.44.dev20260713+nightly
codegen_flags: <defaults>
</compile_context>

<pallas_src>
import functools

import jax
import jax.numpy as jnp
from jax import lax
from jax.experimental import pallas as pl
from jax.experimental.pallas import tpu as pltpu
from jax.experimental.pallas import tpu_sc as plsc

_NX = 256
_NY = 256
_DX = 0.001
_DY = 0.001
_VS = 1550.0
_DT = 5e-08
_S = 128
_T = 5000
_P = _NX * _NY

_KS = 8
_NCHUNK = _S // _KS
_PC = 2048
_NPC = _P // _PC
_NV = _PC // 16


def _delay_body(mask_ref, t_ref):
    pcb = pl.program_id(0)
    pi = (lax.broadcasted_iota(jnp.int32, (_S, _PC), 1) + pcb * _PC)
    ix = (pi // _NY).astype(jnp.float32)
    iy = (pi % _NY).astype(jnp.float32)
    x = mask_ref[:, 0].astype(jnp.float32)[:, None]
    y = mask_ref[:, 1].astype(jnp.float32)[:, None]
    ddx = (x - ix) * _DX
    ddy = (y - iy) * _DY
    dis = jnp.sqrt(ddx * ddx + ddy * ddy)
    t_ref[...] = (dis / _VS / _DT).astype(jnp.int32).reshape(1, 1, _S * _PC)


def _delays(sensor_mask):
    return pl.pallas_call(
        _delay_body,
        grid=(_NPC,),
        in_specs=[pl.BlockSpec((_S, 2), lambda i: (0, 0))],
        out_specs=pl.BlockSpec((1, 1, _S * _PC), lambda i: (i, 0, 0)),
        out_shape=jax.ShapeDtypeStruct((_NPC, 1, _S * _PC), jnp.int32),
    )(sensor_mask).reshape(_NPC, _S * _PC)


def _sc_das(data_hbm, t_hbm, out_hbm, acc, traces, idx):
    w = lax.axis_index("s") * 2 + lax.axis_index("c")

    def zero_body(i, _):
        acc[pl.ds(i * 16, 16)] = jnp.zeros((16,), jnp.float32)
        return _

    lax.fori_loop(0, _P // 16, zero_body, None)

    def chunk_body(jc, _):
        pltpu.sync_copy(data_hbm.at[w, pl.ds(jc * _KS * _T, _KS * _T)], traces)

        def pc_body(pcb, _):
            pltpu.sync_copy(
                t_hbm.at[pcb, pl.ds(jc * _KS * _PC, _KS * _PC)], idx)

            def v_body(v, _):
                sl = pl.ds(pcb * _PC + v * 16, 16)
                a = acc[sl]
                for s in range(_KS):
                    ti = idx[pl.ds(s * _PC + v * 16, 16)]
                    a = a + plsc.load_gather(traces, [ti + (s * _T)])
                acc[sl] = a
                return _

            lax.fori_loop(0, _NV, v_body, None)
            return _

        lax.fori_loop(0, _NPC, pc_body, None)
        return _

    lax.fori_loop(0, _NCHUNK, chunk_body, None)

    def mm_body(i, carry):
        mn, mx = carry
        a = acc[pl.ds(i * 16, 16)]
        return jnp.minimum(mn, a), jnp.maximum(mx, a)

    mn0 = acc[pl.ds(0, 16)]
    mn, mx = lax.fori_loop(0, _P // 16, mm_body, (mn0, mn0))
    mnv = jnp.min(mn)
    mn_vec = jnp.full((16,), mnv, jnp.float32)
    den_vec = jnp.full((16,), jnp.max(mx) - mnv, jnp.float32)

    def norm_body(i, _):
        sl = pl.ds(i * 16, 16)
        acc[sl] = (acc[sl] - mn_vec) / den_vec
        return _

    lax.fori_loop(0, _P // 16, norm_body, None)
    pltpu.sync_copy(acc, out_hbm.at[w])


def kernel(sensor_data, sensor_mask):
    batch = sensor_data.shape[0]
    t = _delays(sensor_mask)
    data = sensor_data.reshape(batch * 2, _S * _T)

    mesh = plsc.VectorSubcoreMesh(core_axis_name="c", subcore_axis_name="s")
    image = pl.kernel(
        _sc_das,
        mesh=mesh,
        compiler_params=pltpu.CompilerParams(
            use_tc_tiling_on_sc=False, needs_layout_passes=False),
        out_type=jax.ShapeDtypeStruct((batch * 2, _P), jnp.float32),
        scratch_types=[
            pltpu.VMEM((_P,), jnp.float32),
            pltpu.VMEM((_KS * _T,), jnp.float32),
            pltpu.VMEM((_KS * _PC,), jnp.int32),
        ],
    )(data, t)
    return image.reshape(batch, 2, _NX, _NY)

# --- scband reference (transcript-rebuilt; emitter-appended) ---
"""Pipeline reference for scband-das-49074296324299 (READ-ONLY COPY).

The authoritative reference and input builder live on the scoring server;
editing this copy changes nothing except your own understanding.
"""

import jax, jax.numpy as jnp
import numpy as np

Nx = 256
Ny = 256
dx = 0.001
dy = 0.001
vs = 1550.0
dt = 5e-08
S = 128
T = 5000
B = 16


def setup_inputs(seed: int = 0) -> dict:
    key = jax.random.key(seed)
    k1, k2 = jax.random.split(key)
    sensor_data = jax.random.normal(k1, (B, 2, S, T), dtype=jnp.float32)
    # synthetic sensor mask: (x, y) grid indices in [0, 256), stands in for the
    # scipy.io.loadmat('sensor_mask.mat') contents of the torch module
    sensor_mask = jax.random.randint(k2, (S, 2), 0, 256, dtype=jnp.int32)
    return {"sensor_data": sensor_data, "sensor_mask": sensor_mask}


def _delays(sensor_mask):
    # idx/idy replicate torch.arange(1, N+1) broadcast over the image grid
    idx = jnp.arange(1, Nx + 1, dtype=jnp.float32)[:, None]  # [Nx,1]
    idy = jnp.arange(1, Ny + 1, dtype=jnp.float32)[None, :]  # [1,Ny]
    x = sensor_mask[:, 0].astype(jnp.float32)[:, None, None]  # [S,1,1]
    y = sensor_mask[:, 1].astype(jnp.float32)[:, None, None]
    dis = jnp.sqrt(((x - idx[None, :, :] + 1.0) * dx) ** 2 +
                   ((y - idy[None, :, :] + 1.0) * dy) ** 2)  # [S,Nx,Ny]
    t = (dis / vs / dt).astype(jnp.int32).reshape(S, Nx * Ny)  # [S,P]
    return t


def reference(sensor_data, sensor_mask):
    batch = sensor_data.shape[0]
    t = _delays(sensor_mask)  # int indices into time axis, constant wrt data
    data = jnp.moveaxis(sensor_data, 2, 0)  # [S,B,2,T]

    def body(carry, inp):
        t_s, d_s = inp  # t_s: [P], d_s: [B,2,T]
        gathered = jnp.take(d_s, t_s, axis=2)  # [B,2,P]  (per-sensor delay gather)
        return carry + gathered, None

    init = jnp.zeros((batch, 2, Nx * Ny), dtype=sensor_data.dtype)
    image, _ = jax.lax.scan(body, init, (t, data))  # sum over sensors

    min_v = jnp.min(image, axis=2, keepdims=True)
    max_v = jnp.max(image, axis=2, keepdims=True)
    image = (image - min_v) / (max_v - min_v)
    return image.reshape(batch, 2, Nx, Ny)

if __name__ == "__main__":
    import jax
    _d = setup_inputs()
    print(jax.jit(kernel)(*tuple(_d.values())))

</pallas_src>

<mosaic_0001>
#map = affine_map<(d0, d1) -> (0, 0)>
module attributes {stable_mosaic.version = 14 : i64} {
  func.func @_sc_das(%arg0: i32, %arg1: i32, %arg2: memref<32x640000xf32, #tpu.memory_space<hbm>>, %arg3: memref<128x65536xi32, #tpu.memory_space<hbm>>, %arg4: memref<32x65536xf32, #tpu.memory_space<hbm>>, %arg5: memref<65536xf32, #tpu.memory_space<vmem>>, %arg6: memref<40000xf32, #tpu.memory_space<vmem>>, %arg7: memref<16384xi32, #tpu.memory_space<vmem>>) attributes {dimension_semantics = [#tpu.dimension_semantics<core_parallel>, #tpu.dimension_semantics<subcore_parallel>], iteration_bounds = array<i64: 2, 16>, scalar_prefetch = 0 : i64, scratch_operands = 3 : i64, tpu.core_type = #tpu.core_type<sc_vector_subcore>, window_params = [{transform_indices = #map}, {transform_indices = #map}, {transform_indices = #map}]} {
    %mul3A = arith.constant 2 : i32
    %mul3A_0 = arith.muli %arg1, %mul3A : i32
    %add3A = arith.addi %mul3A_0, %arg0 : i32
    %scan3A = arith.constant 0 : i32
    %scan3A_1 = arith.constant 4096 : i32
    %scan3A_2 = arith.addi %scan3A, %scan3A_1 : i32
    %scan3A_3 = arith.constant 1 : i32
    scf.for %scan3A_29 = %scan3A to %scan3A_2 step %scan3A_3  : i32 {
      %broadcast_in_dim3A_30 = arith.constant 0.000000e+00 : f32
      %broadcast_in_dim3A_31 = vector.broadcast %broadcast_in_dim3A_30 : f32 to vector<16xf32>
      %mul3A_32 = arith.constant 16 : i32
      %mul3A_33 = arith.muli %scan3A_29, %mul3A_32 : i32
      %swap3A = arith.index_cast %mul3A_33 : i32 to index
      %swap3A_34 = tpu.vector_load %arg5[%swap3A] {strides = array<i32>} : memref<65536xf32, #tpu.memory_space<vmem>>, vector<16xf32>,
      tpu.vector_store %arg5[%swap3A], %broadcast_in_dim3A_31 {strides = array<i32>} : memref<65536xf32, #tpu.memory_space<vmem>>, vector<16xf32>,
    }
    %scan3A_4 = arith.constant 4096 : i32
    %scan3A_5 = arith.constant 0 : i32
    %scan3A_6 = arith.constant 16 : i32
    %scan3A_7 = arith.addi %scan3A_5, %scan3A_6 : i32
    %scan3A_8 = arith.constant 1 : i32
    scf.for %scan3A_29 = %scan3A_5 to %scan3A_7 step %scan3A_8  : i32 {
      %mul3A_30 = arith.constant 8 : i32
      %mul3A_31 = arith.muli %scan3A_29, %mul3A_30 : i32
      %mul3A_32 = arith.constant 5000 : i32
      %mul3A_33 = arith.muli %mul3A_31, %mul3A_32 : i32
      "tpu.region"() ({
        %run_scoped3A = tpu.sem_alloc : memref<!tpu.dma_semaphore, #tpu.memory_space<semaphore_mem>>
        %dma_start3A = tpu.memref_slice %arg2[%add3A, %mul3A_33] : memref<32x640000xf32, #tpu.memory_space<hbm>> -> memref<1x40000xf32, #tpu.memory_space<hbm>>
        %dma_start3A_39 = tpu.memref_squeeze %dma_start3A : memref<1x40000xf32, #tpu.memory_space<hbm>> -> memref<40000xf32, #tpu.memory_space<hbm>>
        %dma_start3A_40 = tpu.memref_slice %arg2[%add3A, %mul3A_33] : memref<32x640000xf32, #tpu.memory_space<hbm>> -> memref<1x40000xf32, #tpu.memory_space<hbm>>
        %dma_start3A_41 = tpu.memref_squeeze %dma_start3A_40 : memref<1x40000xf32, #tpu.memory_space<hbm>> -> memref<40000xf32, #tpu.memory_space<hbm>>
        tpu.enqueue_dma source(%dma_start3A_41 : memref<40000xf32, #tpu.memory_space<hbm>>) target(%arg6 : memref<40000xf32, #tpu.memory_space<vmem>>) target_semaphore(%run_scoped3A : memref<!tpu.dma_semaphore, #tpu.memory_space<semaphore_mem>>)
        %dma_wait3A = tpu.memref_slice %arg2[%add3A, %mul3A_33] : memref<32x640000xf32, #tpu.memory_space<hbm>> -> memref<1x40000xf32, #tpu.memory_space<hbm>>
        %dma_wait3A_42 = tpu.memref_squeeze %dma_wait3A : memref<1x40000xf32, #tpu.memory_space<hbm>> -> memref<40000xf32, #tpu.memory_space<hbm>>
        %dma_wait3A_43 = tpu.memref_slice %arg2[%add3A, %mul3A_33] : memref<32x640000xf32, #tpu.memory_space<hbm>> -> memref<1x40000xf32, #tpu.memory_space<hbm>>
        %dma_wait3A_44 = tpu.memref_squeeze %dma_wait3A_43 : memref<1x40000xf32, #tpu.memory_space<hbm>> -> memref<40000xf32, #tpu.memory_space<hbm>>
        tpu.wait_dma2 semaphore(%run_scoped3A : memref<!tpu.dma_semaphore, #tpu.memory_space<semaphore_mem>>) src(%dma_wait3A_44 : memref<40000xf32, #tpu.memory_space<hbm>>) dst(%arg6 : memref<40000xf32, #tpu.memory_space<vmem>>)
        tpu.yield
      }) : () -> ()
      %scan3A_34 = arith.constant 0 : i32
      %scan3A_35 = arith.constant 32 : i32
      %scan3A_36 = arith.addi %scan3A_34, %scan3A_35 : i32
      %scan3A_37 = arith.constant 1 : i32
      scf.for %scan3A_39 = %scan3A_34 to %scan3A_36 step %scan3A_37  : i32 {
        %mul3A_40 = arith.constant 8 : i32
        %mul3A_41 = arith.muli %scan3A_29, %mul3A_40 : i32
        %mul3A_42 = arith.constant 2048 : i32
        %mul3A_43 = arith.muli %mul3A_41, %mul3A_42 : i32
        "tpu.region"() ({
          %run_scoped3A = tpu.sem_alloc : memref<!tpu.dma_semaphore, #tpu.memory_space<semaphore_mem>>
          %dma_start3A = tpu.memref_slice %arg3[%scan3A_39, %mul3A_43] : memref<128x65536xi32, #tpu.memory_space<hbm>> -> memref<1x16384xi32, #tpu.memory_space<hbm>>
          %dma_start3A_49 = tpu.memref_squeeze %dma_start3A : memref<1x16384xi32, #tpu.memory_space<hbm>> -> memref<16384xi32, #tpu.memory_space<hbm>>
          %dma_start3A_50 = tpu.memref_slice %arg3[%scan3A_39, %mul3A_43] : memref<128x65536xi32, #tpu.memory_space<hbm>> -> memref<1x16384xi32, #tpu.memory_space<hbm>>
          %dma_start3A_51 = tpu.memref_squeeze %dma_start3A_50 : memref<1x16384xi32, #tpu.memory_space<hbm>> -> memref<16384xi32, #tpu.memory_space<hbm>>
          tpu.enqueue_dma source(%dma_start3A_51 : memref<16384xi32, #tpu.memory_space<hbm>>) target(%arg7 : memref<16384xi32, #tpu.memory_space<vmem>>) target_semaphore(%run_scoped3A : memref<!tpu.dma_semaphore, #tpu.memory_space<semaphore_mem>>)
          %dma_wait3A = tpu.memref_slice %arg3[%scan3A_39, %mul3A_43] : memref<128x65536xi32, #tpu.memory_space<hbm>> -> memref<1x16384xi32, #tpu.memory_space<hbm>>
          %dma_wait3A_52 = tpu.memref_squeeze %dma_wait3A : memref<1x16384xi32, #tpu.memory_space<hbm>> -> memref<16384xi32, #tpu.memory_space<hbm>>
          %dma_wait3A_53 = tpu.memref_slice %arg3[%scan3A_39, %mul3A_43] : memref<128x65536xi32, #tpu.memory_space<hbm>> -> memref<1x16384xi32, #tpu.memory_space<hbm>>
          %dma_wait3A_54 = tpu.memref_squeeze %dma_wait3A_53 : memref<1x16384xi32, #tpu.memory_space<hbm>> -> memref<16384xi32, #tpu.memory_space<hbm>>
          tpu.wait_dma2 semaphore(%run_scoped3A : memref<!tpu.dma_semaphore, #tpu.memory_space<semaphore_mem>>) src(%dma_wait3A_54 : memref<16384xi32, #tpu.memory_space<hbm>>) dst(%arg7 : memref<16384xi32, #tpu.memory_space<vmem>>)
          tpu.yield
        }) : () -> ()
        %scan3A_44 = arith.constant 0 : i32
        %scan3A_45 = arith.constant 128 : i32
        %scan3A_46 = arith.addi %scan3A_44, %scan3A_45 : i32
        %scan3A_47 = arith.constant 1 : i32
        scf.for %scan3A_49 = %scan3A_44 to %scan3A_46 step %scan3A_47  : i32 {
          %mul3A_50 = arith.constant 2048 : i32
          %mul3A_51 = arith.muli %scan3A_39, %mul3A_50 : i32
          %mul3A_52 = arith.constant 16 : i32
          %mul3A_53 = arith.muli %scan3A_49, %mul3A_52 : i32
          %add3A_54 = arith.addi %mul3A_51, %mul3A_53 : i32
          %get3A_55 = arith.index_cast %add3A_54 : i32 to index
          %get3A_56 = tpu.vector_load %arg5[%get3A_55] {strides = array<i32>} : memref<65536xf32, #tpu.memory_space<vmem>>, vector<16xf32>,
          %mul3A_57 = arith.constant 16 : i32
          %mul3A_58 = arith.muli %scan3A_49, %mul3A_57 : i32
          %add3A_59 = arith.constant 0 : i32
          %add3A_60 = arith.addi %add3A_59, %mul3A_58 : i32
          %get3A_61 = arith.index_cast %add3A_60 : i32 to index
          %get3A_62 = tpu.vector_load %arg7[%get3A_61] {strides = array<i32>} : memref<16384xi32, #tpu.memory_space<vmem>>, vector<16xi32>,
          %add3A_63 = arith.constant 0 : i32
          %add3A_64 = vector.broadcast %add3A_63 : i32 to vector<16xi32>
          %add3A_65 = arith.addi %get3A_62, %add3A_64 : vector<16xi32>
          %gather3A = tpu.vector_load_idx %arg6[%add3A_65] : memref<40000xf32, #tpu.memory_space<vmem>>[vector<16xi32>], vector<16xf32>,
          %add3A_66 = arith.addf %get3A_56, %gather3A : vector<16xf32>
          %mul3A_67 = arith.constant 16 : i32
          %mul3A_68 = arith.muli %scan3A_49, %mul3A_67 : i32
          %add3A_69 = arith.constant 2048 : i32
          %add3A_70 = arith.addi %add3A_69, %mul3A_68 : i32
          %get3A_71 = arith.index_cast %add3A_70 : i32 to index
          %get3A_72 = tpu.vector_load %arg7[%get3A_71] {strides = array<i32>} : memref<16384xi32, #tpu.memory_space<vmem>>, vector<16xi32>,
          %add3A_73 = arith.constant 5000 : i32
          %add3A_74 = vector.broadcast %add3A_73 : i32 to vector<16xi32>
          %add3A_75 = arith.addi %get3A_72, %add3A_74 : vector<16xi32>
          %gather3A_76 = tpu.vector_load_idx %arg6[%add3A_75] : memref<40000xf32, #tpu.memory_space<vmem>>[vector<16xi32>], vector<16xf32>,
          %add3A_77 = arith.addf %add3A_66, %gather3A_76 : vector<16xf32>
          %mul3A_78 = arith.constant 16 : i32
          %mul3A_79 = arith.muli %scan3A_49, %mul3A_78 : i32
          %add3A_80 = arith.constant 4096 : i32
          %add3A_81 = arith.addi %add3A_80, %mul3A_79 : i32
          %get3A_82 = arith.index_cast %add3A_81 : i32 to index
          %get3A_83 = tpu.vector_load %arg7[%get3A_82] {strides = array<i32>} : memref<16384xi32, #tpu.memory_space<vmem>>, vector<16xi32>,
          %add3A_84 = arith.constant 10000 : i32
          %add3A_85 = vector.broadcast %add3A_84 : i32 to vector<16xi32>
          %add3A_86 = arith.addi %get3A_83, %add3A_85 : vector<16xi32>
          %gather3A_87 = tpu.vector_load_idx %arg6[%add3A_86] : memref<40000xf32, #tpu.memory_space<vmem>>[vector<16xi32>], vector<16xf32>,
          %add3A_88 = arith.addf %add3A_77, %gather3A_87 : vector<16xf32>
          %mul3A_89 = arith.constant 16 : i32
          %mul3A_90 = arith.muli %scan3A_49, %mul3A_89 : i32
          %add3A_91 = arith.constant 6144 : i32
          %add3A_92 = arith.addi %add3A_91, %mul3A_90 : i32
          %get3A_93 = arith.index_cast %add3A_92 : i32 to index
          %get3A_94 = tpu.vector_load %arg7[%get3A_93] {strides = array<i32>} : memref<16384xi32, #tpu.memory_space<vmem>>, vector<16xi32>,
          %add3A_95 = arith.constant 15000 : i32
          %add3A_96 = vector.broadcast %add3A_95 : i32 to vector<16xi32>
          %add3A_97 = arith.addi %get3A_94, %add3A_96 : vector<16xi32>
          %gather3A_98 = tpu.vector_load_idx %arg6[%add3A_97] : memref<40000xf32, #tpu.memory_space<vmem>>[vector<16xi32>], vector<16xf32>,
          %add3A_99 = arith.addf %add3A_88, %gather3A_98 : vector<16xf32>
          %mul3A_100 = arith.constant 16 : i32
          %mul3A_101 = arith.muli %scan3A_49, %mul3A_100 : i32
          %add3A_102 = arith.constant 8192 : i32
          %add3A_103 = arith.addi %add3A_102, %mul3A_101 : i32
          %get3A_104 = arith.index_cast %add3A_103 : i32 to index
          %get3A_105 = tpu.vector_load %arg7[%get3A_104] {strides = array<i32>} : memref<16384xi32, #tpu.memory_space<vmem>>, vector<16xi32>,
          %add3A_106 = arith.constant 20000 : i32
          %add3A_107 = vector.broadcast %add3A_106 : i32 to vector<16xi32>
          %add3A_108 = arith.addi %get3A_105, %add3A_107 : vector<16xi32>
          %gather3A_109 = tpu.vector_load_idx %arg6[%add3A_108] : memref<40000xf32, #tpu.memory_space<vmem>>[vector<16xi32>], vector<16xf32>,
          %add3A_110 = arith.addf %add3A_99, %gather3A_109 : vector<16xf32>
          %mul3A_111 = arith.constant 16 : i32
          %mul3A_112 = arith.muli %scan3A_49, %mul3A_111 : i32
          %add3A_113 = arith.constant 10240 : i32
          %add3A_114 = arith.addi %add3A_113, %mul3A_112 : i32
          %get3A_115 = arith.index_cast %add3A_114 : i32 to index
          %get3A_116 = tpu.vector_load %arg7[%get3A_115] {strides = array<i32>} : memref<16384xi32, #tpu.memory_space<vmem>>, vector<16xi32>,
          %add3A_117 = arith.constant 25000 : i32
          %add3A_118 = vector.broadcast %add3A_117 : i32 to vector<16xi32>
          %add3A_119 = arith.addi %get3A_116, %add3A_118 : vector<16xi32>
          %gather3A_120 = tpu.vector_load_idx %arg6[%add3A_119] : memref<40000xf32, #tpu.memory_space<vmem>>[vector<16xi32>], vector<16xf32>,
          %add3A_121 = arith.addf %add3A_110, %gather3A_120 : vector<16xf32>
          %mul3A_122 = arith.constant 16 : i32
          %mul3A_123 = arith.muli %scan3A_49, %mul3A_122 : i32
          %add3A_124 = arith.constant 12288 : i32
          %add3A_125 = arith.addi %add3A_124, %mul3A_123 : i32
          %get3A_126 = arith.index_cast %add3A_125 : i32 to index
          %get3A_127 = tpu.vector_load %arg7[%get3A_126] {strides = array<i32>} : memref<16384xi32, #tpu.memory_space<vmem>>, vector<16xi32>,
          %add3A_128 = arith.constant 30000 : i32
          %add3A_129 = vector.broadcast %add3A_128 : i32 to vector<16xi32>
          %add3A_130 = arith.addi %get3A_127, %add3A_129 : vector<16xi32>
          %gather3A_131 = tpu.vector_load_idx %arg6[%add3A_130] : memref<40000xf32, #tpu.memory_space<vmem>>[vector<16xi32>], vector<16xf32>,
          %add3A_132 = arith.addf %add3A_121, %gather3A_131 : vector<16xf32>
          %mul3A_133 = arith.constant 16 : i32
          %mul3A_134 = arith.muli %scan3A_49, %mul3A_133 : i32
          %add3A_135 = arith.constant 14336 : i32
          %add3A_136 = arith.addi %add3A_135, %mul3A_134 : i32
          %get3A_137 = arith.index_cast %add3A_136 : i32 to index
          %get3A_138 = tpu.vector_load %arg7[%get3A_137] {strides = array<i32>} : memref<16384xi32, #tpu.memory_space<vmem>>, vector<16xi32>,
          %add3A_139 = arith.constant 35000 : i32
          %add3A_140 = vector.broadcast %add3A_139 : i32 to vector<16xi32>
          %add3A_141 = arith.addi %get3A_138, %add3A_140 : vector<16xi32>
          %gather3A_142 = tpu.vector_load_idx %arg6[%add3A_141] : memref<40000xf32, #tpu.memory_space<vmem>>[vector<16xi32>], vector<16xf32>,
          %add3A_143 = arith.addf %add3A_132, %gather3A_142 : vector<16xf32>
          %swap3A = arith.index_cast %add3A_54 : i32 to index
          %swap3A_144 = tpu.vector_load %arg5[%swap3A] {strides = array<i32>} : memref<65536xf32, #tpu.memory_space<vmem>>, vector<16xf32>,
          tpu.vector_store %arg5[%swap3A], %add3A_143 {strides = array<i32>} : memref<65536xf32, #tpu.memory_space<vmem>>, vector<16xf32>,
        }
        %scan3A_48 = arith.constant 128 : i32
      }
      %scan3A_38 = arith.constant 32 : i32
    }
    %scan3A_9 = arith.constant 16 : i32
    %get3A = arith.constant 0 : index
    %get3A_10 = tpu.vector_load %arg5[%get3A] {strides = array<i32>} : memref<65536xf32, #tpu.memory_space<vmem>>, vector<16xf32>,
    %scan3A_11 = arith.constant 0 : i32
    %scan3A_12 = arith.constant 4096 : i32
    %scan3A_13 = arith.addi %scan3A_11, %scan3A_12 : i32
    %scan3A_14 = arith.constant 1 : i32
    %scan3A_15:2 = scf.for %scan3A_29 = %scan3A_11 to %scan3A_13 step %scan3A_14 iter_args(%scan3A_30 = %get3A_10, %scan3A_31 = %get3A_10) -> (vector<16xf32>, vector<16xf32>)  : i32 {
      %mul3A_32 = arith.constant 16 : i32
      %mul3A_33 = arith.muli %scan3A_29, %mul3A_32 : i32
      %get3A_34 = arith.index_cast %mul3A_33 : i32 to index
      %get3A_35 = tpu.vector_load %arg5[%get3A_34] {strides = array<i32>} : memref<65536xf32, #tpu.memory_space<vmem>>, vector<16xf32>,
      %min3A = arith.minimumf %scan3A_30, %get3A_35 : vector<16xf32>
      %max3A = arith.maximumf %scan3A_31, %get3A_35 : vector<16xf32>
      scf.yield %min3A, %max3A : vector<16xf32>, vector<16xf32>
    }
    %scan3A_16 = arith.constant 4096 : i32
    %reduce_min3A = arith.constant true
    %reduce_min3A_17 = vector.broadcast %reduce_min3A : i1 to vector<16xi1>
    %reduce_min3A_18 = tpu.scan <min>, %scan3A_15#0 masked %reduce_min3A_17 : vector<16xf32>, vector<16xi1> -> vector<16xf32>
    %reduce_min3A_19 = vector.extract %reduce_min3A_18[15] : f32 from vector<16xf32>
    %broadcast_in_dim3A = vector.broadcast %reduce_min3A_19 : f32 to vector<16xf32>
    %reduce_max3A = arith.constant true
    %reduce_max3A_20 = vector.broadcast %reduce_max3A : i1 to vector<16xi1>
    %reduce_max3A_21 = tpu.scan <max>, %scan3A_15#1 masked %reduce_max3A_20 : vector<16xf32>, vector<16xi1> -> vector<16xf32>
    %reduce_max3A_22 = vector.extract %reduce_max3A_21[15] : f32 from vector<16xf32>
    %sub3A = arith.subf %reduce_max3A_22, %reduce_min3A_19 : f32
    %broadcast_in_dim3A_23 = vector.broadcast %sub3A : f32 to vector<16xf32>
    %scan3A_24 = arith.constant 0 : i32
    %scan3A_25 = arith.constant 4096 : i32
    %scan3A_26 = arith.addi %scan3A_24, %scan3A_25 : i32
    %scan3A_27 = arith.constant 1 : i32
    scf.for %scan3A_29 = %scan3A_24 to %scan3A_26 step %scan3A_27  : i32 {
      %mul3A_30 = arith.constant 16 : i32
      %mul3A_31 = arith.muli %scan3A_29, %mul3A_30 : i32
      %get3A_32 = arith.index_cast %mul3A_31 : i32 to index
      %get3A_33 = tpu.vector_load %arg5[%get3A_32] {strides = array<i32>} : memref<65536xf32, #tpu.memory_space<vmem>>, vector<16xf32>,
      %sub3A_34 = arith.subf %get3A_33, %broadcast_in_dim3A : vector<16xf32>
      %div3A = arith.divf %sub3A_34, %broadcast_in_dim3A_23 : vector<16xf32>
      %swap3A = arith.index_cast %mul3A_31 : i32 to index
      %swap3A_35 = tpu.vector_load %arg5[%swap3A] {strides = array<i32>} : memref<65536xf32, #tpu.memory_space<vmem>>, vector<16xf32>,
      tpu.vector_store %arg5[%swap3A], %div3A {strides = array<i32>} : memref<65536xf32, #tpu.memory_space<vmem>>, vector<16xf32>,
    }
    %scan3A_28 = arith.constant 4096 : i32
    "tpu.region"() ({
      %run_scoped3A = tpu.sem_alloc : memref<!tpu.dma_semaphore, #tpu.memory_space<semaphore_mem>>
      %dma_start3A = arith.constant 0 : i32
      %dma_start3A_29 = tpu.memref_slice %arg4[%add3A, %dma_start3A] : memref<32x65536xf32, #tpu.memory_space<hbm>> -> memref<1x65536xf32, #tpu.memory_space<hbm>>
      %dma_start3A_30 = tpu.memref_squeeze %dma_start3A_29 : memref<1x65536xf32, #tpu.memory_space<hbm>> -> memref<65536xf32, #tpu.memory_space<hbm>>
      %dma_start3A_31 = arith.constant 0 : i32
      %dma_start3A_32 = tpu.memref_slice %arg4[%add3A, %dma_start3A_31] : memref<32x65536xf32, #tpu.memory_space<hbm>> -> memref<1x65536xf32, #tpu.memory_space<hbm>>
      %dma_start3A_33 = tpu.memref_squeeze %dma_start3A_32 : memref<1x65536xf32, #tpu.memory_space<hbm>> -> memref<65536xf32, #tpu.memory_space<hbm>>
      tpu.enqueue_dma source(%arg5 : memref<65536xf32, #tpu.memory_space<vmem>>) target(%dma_start3A_33 : memref<65536xf32, #tpu.memory_space<hbm>>) target_semaphore(%run_scoped3A : memref<!tpu.dma_semaphore, #tpu.memory_space<semaphore_mem>>)
      %dma_wait3A = arith.constant 0 : i32
      %dma_wait3A_34 = tpu.memref_slice %arg4[%add3A, %dma_wait3A] : memref<32x65536xf32, #tpu.memory_space<hbm>> -> memref<1x65536xf32, #tpu.memory_space<hbm>>
      %dma_wait3A_35 = tpu.memref_squeeze %dma_wait3A_34 : memref<1x65536xf32, #tpu.memory_space<hbm>> -> memref<65536xf32, #tpu.memory_space<hbm>>
      %dma_wait3A_36 = arith.constant 0 : i32
      %dma_wait3A_37 = tpu.memref_slice %arg4[%add3A, %dma_wait3A_36] : memref<32x65536xf32, #tpu.memory_space<hbm>> -> memref<1x65536xf32, #tpu.memory_space<hbm>>
      %dma_wait3A_38 = tpu.memref_squeeze %dma_wait3A_37 : memref<1x65536xf32, #tpu.memory_space<hbm>> -> memref<65536xf32, #tpu.memory_space<hbm>>
      tpu.wait_dma2 semaphore(%run_scoped3A : memref<!tpu.dma_semaphore, #tpu.memory_space<semaphore_mem>>) src(%arg5 : memref<65536xf32, #tpu.memory_space<vmem>>) dst(%dma_wait3A_38 : memref<65536xf32, #tpu.memory_space<hbm>>)
      tpu.yield
    }) : () -> ()
    return
  }
}

</mosaic_0001>

<sc_bundles>
// kernel: kernel.3.cloned.1.call-start
scs
__scs_entry_jumppad:
0x0: {  	(pc) =	sbr.rel $0x88, $3  }
0x1: {  	(tag) =	ssettag $0x0;
	lr =	simm.s32 $0x1  }
0x2: {  	[smem:$0x3F9F] =	sst lr;
	_ =	strace $0xD0000000  }
0x3: {  	_ = 	snop  }
0x4: {  	_ = 	snop  }
0x5: {  	_ = 	snop  }
0x6: {  	_ = 	snop  }
0x7: {  	_ = 	snop  }
__scs_overlays_trampoline_lowered:
0x8: {  	[smem:$0x3FAE] =	sst s0  }
0x9: {  	[smem:$0x3FAF] =	sst s1  }
0xa: {  	[smem:$0x3FB0] =	sst s2  }
0xb: {  	[smem:$0x3FB1] =	sst s3  }
0xc: {  	[smem:$0x3FB2] =	sst s4  }
0xd: {  	[smem:$0x3FB3] =	sst s5  }
0xe: {  	[smem:$0x3FB4] =	sst s6  }
0xf: {  	[smem:$0x3FB5] =	sst s7  }
0x10: {  	[smem:$0x3FB6] =	sst s8  }
0x11: {  	[smem:$0x3FB7] =	sst s9;
	s0 =	simm.s32 @!p0 $0x0  }
0x12: {  	s1 =	sld [smem:$0x3F9D];
	s0 =	simm.s32 @p0 $0x1  }
0x13: {  	[smem:$0x3FB8] =	sst s0;
	s0 =	simm.s32 @!p1 $0x0  }
0x14: {  	s2 =	sld [smem:$0x3F9C];
	s0 =	simm.s32 @p1 $0x1  }
0x15: {  	[smem:$0x3FB9] =	sst s0;
	s0 =	simm.s32 @!p2 $0x0  }
0x16: {  	s3 =	sld [smem:$0x3FDB];
	s0 =	simm.s32 @p2 $0x1  }
0x17: {  	s4 =	simm.s32 $0x1BF5;
	[smem:$0x3FBB] =	sst s0  }
0x18: {  	s0 =	sld [smem:$0x3F9E];
	_ =	swait.ge [sflag:s4], $0x0  }
0x19: {  	s7 =	sld [smem:$0x3F9F]  }
0x1a: {  	s8 =	sadd.s32 $0xFFFFE003, lr  }
0x1b: {  	s9 =	sadd.s32 $0xFFFFFEF7, lr;
	s5 =	simm.s32 $0xFFFFFFFF;
	p2 =	slt.u32 s8, $0xFFFFF086  }
0x1c: {  	p1 =	slt.u32 s9, $0xF7A;
	s5 =	simm.s32 @!p2 $0x0  }
0x1d: {  	s5 =	simm.s32 @p1 $0x1;
	p0 =	seq.s32 s7, s2  }
0x1e: {  	s7 =	smul.u32 @!p0 $0xF7A, s2;
	p2 =	seq.s32 @!p0 s5, $0x0  }
0x1f: {  	s9 =	smul.u32 $0xF7A, s1;
	s8 =	simm.s32 @!p0 $0x1BF5;
	p2 =	por !p2, p0  }
0x20: {  	[sflag:s8] =	ssyncset.s32 @!p0 $0xFFFFF086;
	s6 =	sadd.s32 @!p0 s3, s7;
	s7 =	simm.s32 @!p0 $0x108  }
0x21: {  	s3 =	sadd.s32 s3, s9;
	s6 =	sadd.s32 @!p0 $0x88, s6;
	s7 =	simm.s32 @p2 $0x1082  }
0x22: {  	[simem:s7], [sflag:s8] =	dma.local @!p0 [hbm:s6], $0xF7A  }
0x23: {  	s9 =	sor.u32 $0xD0000000, s2;
	s6 =	simm.s32 $0x108;
	_ =	swait.ge @!p0 [sflag:s8], $0x0  }
0x24: {  	s3 =	sadd.s32 $0x88, s3;
	s6 =	simm.s32 @!p1 $0x1082;
	[sflag:s4] =	ssyncset.s32 $0xFFFFF086  }
0x25: {  	[simem:s6], [sflag:s4] =	dma.local [hbm:s3], $0xF7A  }
0x26: {  	[smem:$0x3F9F] =	sst s1;
	(tag) =	ssettag s2;
	_ =	strace s9  }
0x27: {  	s1 =	sld [smem:$0x3FAF]  }
0x28: {  	s2 =	sld [smem:$0x3FB0]  }
0x29: {  	s4 =	sld [smem:$0x3FB2]  }
0x2a: {  	p0 =	seq.s32 s5, $0x0;
	s5 =	sld [smem:$0x3FB3]  }
0x2b: {  	s6 =	sld [smem:$0x3FB4]  }
0x2c: {  	s7 =	sld [smem:$0x3FB5]  }
0x2d: {  	s3 =	simm.s32 $0x108;
	s8 =	sld [smem:$0x3FB6]  }
0x2e: {  	s3 =	simm.s32 @!p0 $0x1082;
	s9 =	sld [smem:$0x3FB7]  }
0x2f: {  	lr =	sadd.s32 s0, s3;
	s0 =	sld [smem:$0x3FAE]  }
0x30: {  	s3 =	sld [smem:$0x3FB1]  }
0x31: {  	[smem:$0x3FBA] =	sst s10  }
0x32: {  	s10 =	sld [smem:$0x3FB8];
	_ =	sdelay $0x3  }
0x33: {  	p0 =	seq.s32 s10, $0x1;
	s10 =	sld [smem:$0x3FBA];
	_ =	sdelay $0x3  }
0x34: {  	[smem:$0x3FBA] =	sst s10  }
0x35: {  	s10 =	sld [smem:$0x3FB9];
	_ =	sdelay $0x3  }
0x36: {  	p1 =	seq.s32 s10, $0x1;
	s10 =	sld [smem:$0x3FBA];
	_ =	sdelay $0x3  }
0x37: {  	[smem:$0x3FBA] =	sst s10  }
0x38: {  	s10 =	sld [smem:$0x3FBB]  }
0x39: {  	_ = 	snop;
	(pc) =	sbr.ind lr, $3  }
0x3a: {  	_ = 	snop  }
0x3b: {  	_ = 	snop  }
0x3c: {  	p2 =	seq.s32 s10, $0x1;
	s10 =	sld [smem:$0x3FBA]  }
0x3d: {  	_ =	shalt  }
0x3e: {  	_ =	shalt  }
0x3f: {  	_ =	shalt  }
0x40: {  	_ =	shalt  }
0x41: {  	_ =	shalt  }
0x42: {  	_ =	shalt  }
0x43: {  	_ =	shalt  }
0x44: {  	_ =	shalt  }
0x45: {  	_ =	shalt  }
0x46: {  	_ =	shalt  }
0x47: {  	_ =	shalt  }
0x48: {  	_ =	shalt  }
0x49: {  	_ =	shalt  }
0x4a: {  	_ =	shalt  }
0x4b: {  	_ =	shalt  }
0x4c: {  	_ =	shalt  }
0x4d: {  	_ =	shalt  }
0x4e: {  	_ =	shalt  }
0x4f: {  	_ =	shalt  }
0x50: {  	_ =	shalt  }
0x51: {  	_ =	shalt  }
0x52: {  	_ =	shalt  }
0x53: {  	_ =	shalt  }
0x54: {  	_ =	shalt  }
0x55: {  	_ =	shalt  }
0x56: {  	_ =	shalt  }
0x57: {  	_ =	shalt  }
0x58: {  	_ =	shalt  }
0x59: {  	_ =	shalt  }
0x5a: {  	_ =	shalt  }
0x5b: {  	_ =	shalt  }
0x5c: {  	_ =	shalt  }
0x5d: {  	_ =	shalt  }
0x5e: {  	_ =	shalt  }
0x5f: {  	_ =	shalt  }
0x60: {  	_ =	shalt  }
0x61: {  	_ =	shalt  }
0x62: {  	_ =	shalt  }
0x63: {  	_ =	shalt  }
0x64: {  	_ =	shalt  }
0x65: {  	_ =	shalt  }
0x66: {  	_ =	shalt  }
0x67: {  	_ =	shalt  }
0x68: {  	_ =	shalt  }
0x69: {  	_ =	shalt  }
0x6a: {  	_ =	shalt  }
0x6b: {  	_ =	shalt  }
0x6c: {  	_ =	shalt  }
0x6d: {  	_ =	shalt  }
0x6e: {  	_ =	shalt  }
0x6f: {  	_ =	shalt  }
0x70: {  	_ =	shalt  }
0x71: {  	_ =	shalt  }
0x72: {  	_ =	shalt  }
0x73: {  	_ =	shalt  }
0x74: {  	_ =	shalt  }
0x75: {  	_ =	shalt  }
0x76: {  	_ =	shalt  }
0x77: {  	_ =	shalt  }
0x78: {  	_ =	shalt  }
0x79: {  	_ =	shalt  }
0x7a: {  	_ =	shalt  }
0x7b: {  	_ =	shalt  }
0x7c: {  	_ =	shalt  }
0x7d: {  	_ =	shalt  }
0x7e: {  	_ =	shalt  }
0x7f: {  	_ =	shalt  }
0x80: {  	_ =	shalt  }
0x81: {  	_ =	shalt  }
0x82: {  	_ =	shalt  }
0x83: {  	_ =	shalt  }
0x84: {  	_ =	shalt  }
0x85: {  	_ =	shalt  }
0x86: {  	_ =	shalt  }
0x87: {  	_ =	shalt  }
.Lfunc_end0:
.L_simem_size_0:
called_computation.1_lowered:
.L_overlay_start_0:
0x88: {  	s2 =	sld [smem:$0x3FD9]  }
0x89: {  	s3 =	sld [smem:$0x3FFE];
	_ =	sdelay $0x1  }
0x8a: {  	s1 =	srdreg.scid  }
0x8b: {  	s0 =	sand.u32 $0x1, s1  }
0x8c: {  	s16 =	sshll.u32 s0, $0xA;
	s2 =	sadd.s32 s3, s2  }
0x8d: {  	s2 =	sadd.s32 s2, s16  }
0x8e: {  	[smem:$0x3FC6] =	sst s2  }
0x8f: {  	_ = 	snop  }
0x90: {  	(tm) =	ssettm $0x1  }
0x91: {  	s17 =	sld [smem:$0x3FFB];
	_ =	sdelay $0x3  }
0x92: {  	_ =	strace s17  }
0x93: {  	s2 =	sld [smem:$0x3FFC];
	_ =	sdelay $0x3  }
0x94: {  	_ =	strace s2  }
0x95: {  	s2 =	sld [smem:$0x3FFD];
	_ =	sdelay $0x3  }
0x96: {  	_ =	strace s2  }
0x97: {  	_ =	strace $0x8FFFFFFF  }
0x98: {  	s18 =	sld [smem:$0x3FDB];
	_ =	sdelay $0x1  }
0x99: {  	s19 =	simm.s32 $_scs_section_size  }
0x9a: {  	s4 =	simm.s32 $_size__tile_overlayer_lowered;
	s5 =	simm.s32 $_tile_overlayer_lowered  }
0x9b: {  	s22 =	simm.s32 $0x1BFF;
	s21 =	sshll.u32 s5, $0x1;
	s2 =	sadd.s32 s19, s18  }
0x9c: {  	s6 =	simm.s32 $0x0;
	s20 =	sshll.u32 s4, $0x1;
	s4 =	sadd.s32 s21, s2  }
0x9d: {  	[timem:s6], [sflag:s22] =	dma.local [hbm:s4], s20  }
0x9e: {  	_ =	swait.ge [sflag:s22], s20  }
0x9f: {  	s3 =	ssub.s32 $0x0, s20;
	[sflag:s22] =	ssyncset.done $0x0  }
0xa0: {  	[sflag:s22] =	ssyncadd.s32 s3;
	_ =	sdelay $0x1  }
0xa1: {  	s23 =	simm.s32 $0x1B8B  }
0xa2: {  	_ =	swait.ge [sflag:s23], $0x1  }
0xa3: {  	[sflag:s23] =	ssyncset.done $0x0  }
0xa4: {  	s25 =	simm.s32 $0x1B8E;
	s24 =	sld [smem:$0x3FFE];
	[sflag:s23] =	ssyncadd.s32 $0xFFFFFFFF  }
0xa5: {  	s26 =	simm.s32 $execute0_lowered;
	[smem:$0x3FD2] =	sst s25  }
0xa6: {  	s4 =	sshll.u32 s26, $0x1;
	_ =	strace $0x80000049;
	[dreg:$0x1] =	wrdreg $0xFFFFFFFF  }
0xa7: {  	s28 =	simm.s32 $_size_execute0_lowered;
	s2 =	sadd.s32 s2, s4;
	[dreg:$0x0] =	wrdreg $0x0  }
0xa8: {  	s4 =	sshll.u32 s28, $0x1;
	[dreg:$0x2] =	wrdreg s2  }
0xa9: {  	[dreg:$0x3] =	wrdreg s4  }
0xaa: {  	[dreg:$0x4] =	wrdreg $0xC0  }
0xab: {  	_ =	task [dreg:s6], $0x5FFFF  }
0xac: {  	[dreg:$0x1] =	wrdreg $0xFFFFFFFF  }
0xad: {  	[dreg:$0x0] =	wrdreg $0x60  }
0xae: {  	[dreg:$0x2] =	wrdreg s24  }
0xaf: {  	[dreg:$0x3] =	wrdreg $0x9  }
0xb0: {  	_ =	task.clear_ibuf [dreg:s6], $0x4FFFF;
	_ =	strace $0x90000049  }
0xb1: {  	s29 =	simm.s32 $0x9;
	_ =	strace $0x8000004B  }
0xb2: {  	_ =	swait.ge [sflag:s29], $0x1  }
0xb3: {  	[sflag:s29] =	ssyncadd.s32 $0xFFFFFFFF  }
0xb4: {  	_ =	strace $0x9000004B  }
0xb5: {  	_ =	sfence  }
0xb6: {  	s30 =	sld [smem:$0x0];
	_ =	sdelay $0x2  }
0xb7: {  	s31 =	sshll.u32 s1, $0xD;
	s1 =	sshrl.u32 s1, $0x2  }
0xb8: {  	s3 =	sand.u32 $0x4000, s31;
	s1 =	sadd.s32 s1, s30  }
0xb9: {  	s0 =	sor.u32 s3, s0;
	s1 =	sshll.u32 s1, $0x11  }
0xba: {  	s0 =	sor.u32 s1, s0  }
0xbb: {  	s0 =	sadd.s32 $0x8F2B, s0  }
0xbc: {  	[sflag:s0] =	ssyncadd.remote.s32 $0x1  }
0xbd: {  	_ =	sfence.sel $0xFFFF  }
0xbe: {  	[dreg:$0x0] =	wrdreg $0xFFFFFFFF;
	(pc) =	sbr.abs _section_cstart, $3  }
0xbf: {  	[dreg:$0x1] =	wrdreg $0xFFFFFFFF  }
0xc0: {  	_ =	task.clear_ibuf [dreg:s6], $0x2FFFF;
	_ =	strace $0x9FFFFFFF  }
0xc1: {  	(tm) =	ssettm $0x7FFFFFFF  }
tec
execute0_lowered:
.L_overlay_start_1:
0x0: {  	(tag) =	ssettag $0x1  }
0x1: {  	s5 =	rddreg [dreg:$0x0]  }
0x2: {  	s0 =	rddreg [dreg:$0x1];
	s2 =	simm.s32 $0x0  }
0x3: {  	s3 =	srdreg.scid;
	s1 =	stileid.u32;
	s10 =	simm.s32 $0x19C40  }
0x4: {  	s11 =	simm.s32 $0x0;
	s4 =	sand.u32 $0x1, s3;
	s6 =	sshll.u32 s1, $0x1  }
0x5: {  	[smem:$0x7FF] =	sst s2;
	s3 =	sadd.s32 $0x480C00, s5;
	s6 =	sor.u32 s4, s6  }
0x6: {  	_ =	strace $0x8000004A;
	s7 =	ssub.s32 $0x2, s4;
	s8 =	sshll.u32 s6, $0xD  }
0x7: {  	s4 =	sadd.s32 $0x100C00, s5;
	s9 =	sshrl.u32 s7, $0x1;
	s8 =	sadd.s32 s8, s5  }
0x8: {  	s7 =	ssub.s32 s7, s9;
	s5 =	smul.u32 $0x9C400, s6;
	s9 =	simm.s32 $0x1  }
0x9: {  	v0 =	vimm.f32 $0.0e+00;
	s6 =	sadd.s32 $0xC00, s8;
	s7 =	smax.u32 s7, $0x1;
	s8 =	simm.s32 $0x10000  }
.LBB2_1:
0xa: {  	s12 =	simm.s32 $0x40;
	s13 =	simm.s32 $0x0  }
.LBB2_2:
0xb: {  	p0 =	sne.s32 s12, $0x3FFC0;
	[tilespmem:s13+$0x0] =	vst v0;
	s13 =	smov.u32 s12;
	s12 =	sadd.s32 $0x40, s12  }
.Ltmp0:
0xc: {  	(pc) =	sbr.rel @p0 .LBB2_2-.Ltmp0, $2  }
0xd: {  	_ =	sdelay $0x2  }
0xe: {  	s13 =	sshra.s32 s13, $0x2  }
0xf: {  	[tilespmem:s13+$0x0] =	vst v0;
	s12 =	simm.s32 $0x0;
	s13 =	simm.s32 $0x0  }
.LBB2_4:
0x10: {  	s14 =	smul.u32 $0x9C40, s13;
	_ =	sdelay $0x1  }
0x11: {  	s14 =	sadd.s32 s5, s14  }
0x12: {  	s14 =	sshrl.u32 s14, $0x3  }
0x13: {  	s14 =	sadd.s32 s3, s14  }
0x14: {  	[tilespmem:s8], [sflag:$0x1] =	stream.linear.gather [hbm4b:s14+s12], $0x9C40, $0x38;
	[tilespmem:$0x1DC40] =	vst v63  }
0x15: {  	_ =	swait.ge [sflag:s9], $0x9C40  }
0x16: {  	s31 =	sshll.u32 s13, $0xB;
	s15 =	simm.s32 $0x0;
	[sflag:s9] =	ssyncset.done $0x0  }
0x17: {  	s16 =	simm.s32 $0x0;
	s14 =	sadd.s32 s4, s31;
	[sflag:s9] =	ssyncadd.s32 $0xFFFF63C0  }
.LBB2_5:
0x18: {  	s17 =	sshll.u32 s16, $0xD  }
0x19: {  	s18 =	simm.s32 $0x0;
	s17 =	sadd.s32 s17, s14  }
0x1a: {  	[tilespmem:s10], [sflag:$0x1] =	stream.linear.gather [hbm4b:s17+s18], $0x4000, $0x38;
	[tilespmem:$0x1DC40] =	vst v63  }
0x1b: {  	_ =	swait.ge [sflag:s9], $0x4000  }
0x1c: {  	[sflag:s9] =	ssyncset.done $0x0  }
0x1d: {  	s17 =	simm.s32 $0x0;
	[sflag:s9] =	ssyncadd.s32 $0xFFFFC000  }
0x1e: {  	v1 =	vmov s15;
	s18 =	simm.s32 $0x40;
	v2 =	vld [tilespmem:s17+$0x19C40]  }
.LBB2_6:
0x1f: {  	p0 =	sne.s32 s18, $0x1FC0;
	v3 =	vld [tilespmem:s17+$0x1A440];
	_ =	sdelay $0x1  }
0x20: {  	v4 =	vld [tilespmem:s17+$0x1AC40];
	_ =	sdelay $0x1  }
0x21: {  	v5 =	vld [tilespmem:s17+$0x1B440]  }
0x22: {  	v3 =	vadd.s32 $0x1388, v3;
	v6 =	vld [tilespmem:s17+$0x1C440]  }
0x23: {  	v7 =	vld [tilespmem:s17+$0x1BC40]  }
0x24: {  	v8 =	vld.idx.msk [tilespmem:v1+s17+$0x0 ss:$0x1], $0xffff;
	v4 =	vadd.s32 $0x2710, v4  }
0x25: {  	v2 =	vld.idx.msk [tilespmem:v2+s8+$0x0], $0xffff  }
0x26: {  	v5 =	vadd.s32 $0x3A98, v5;
	v9 =	vld [tilespmem:s17+$0x1CC40]  }
0x27: {  	v3 =	vld.idx.msk [tilespmem:v3+s8+$0x0], $0xffff  }
0x28: {  	v7 =	vadd.s32 $0x4E20, v7;
	v10 =	vld [tilespmem:s17+$0x1D440]  }
0x29: {  	v4 =	vld.idx.msk [tilespmem:v4+s8+$0x0], $0xffff  }
0x2a: {  	v6 =	vadd.s32 $0x61A8, v6  }
0x2b: {  	v2 =	vadd.f32 v2, v8;
	v5 =	vld.idx.msk [tilespmem:v5+s8+$0x0], $0xffff  }
0x2c: {  	v8 =	vadd.s32 $0x7530, v9  }
0x2d: {  	v2 =	vadd.f32 v3, v2;
	v3 =	vld.idx.msk [tilespmem:v7+s8+$0x0], $0xffff  }
0x2e: {  	v7 =	vadd.s32 $0x88B8, v10  }
0x2f: {  	v2 =	vadd.f32 v4, v2;
	v4 =	vld.idx.msk [tilespmem:v6+s8+$0x0], $0xffff;
	_ =	sdelay $0x1  }
0x30: {  	v2 =	vadd.f32 v5, v2;
	v5 =	vld.idx.msk [tilespmem:v8+s8+$0x0], $0xffff;
	_ =	sdelay $0x1  }
0x31: {  	v2 =	vadd.f32 v3, v2;
	v3 =	vld.idx.msk [tilespmem:v7+s8+$0x0], $0xffff;
	_ =	sdelay $0x1  }
0x32: {  	v2 =	vadd.f32 v4, v2;
	_ =	sdelay $0x1  }
0x33: {  	v2 =	vadd.f32 v5, v2  }
.Ltmp1:
0x34: {  	(pc) =	sbr.rel @p0 .LBB2_6-.Ltmp1, $3  }
0x35: {  	v2 =	vadd.f32 v3, v2;
	_ =	sdelay $0x1  }
0x36: {  	[tilespmem:v1+s17+$0x0 ss:$0x1] =	vst.idx.msk $0xffff, v2;
	s17 =	sshra.s32 s18, $0x2  }
0x37: {  	s18 =	sadd.s32 $0x40, s18;
	v2 =	vld [tilespmem:s17+$0x19C40]  }
0x38: {  	v3 =	vld [tilespmem:s17+$0x1A440];
	_ =	sdelay $0x1  }
0x39: {  	v4 =	vld [tilespmem:s17+$0x1AC40];
	_ =	sdelay $0x1  }
0x3a: {  	v5 =	vld [tilespmem:s17+$0x1B440]  }
0x3b: {  	v6 =	vld [tilespmem:s17+$0x1C440];
	v3 =	vadd.s32 $0x1388, v3  }
0x3c: {  	v7 =	vld [tilespmem:s17+$0x1BC40]  }
0x3d: {  	v8 =	vld.idx.msk [tilespmem:v1+s17+$0x0 ss:$0x1], $0xffff;
	v4 =	vadd.s32 $0x2710, v4  }
0x3e: {  	v2 =	vld.idx.msk [tilespmem:v2+s8+$0x0], $0xffff  }
0x3f: {  	v9 =	vld [tilespmem:s17+$0x1CC40];
	v5 =	vadd.s32 $0x3A98, v5  }
0x40: {  	v3 =	vld.idx.msk [tilespmem:v3+s8+$0x0], $0xffff  }
0x41: {  	v10 =	vld [tilespmem:s17+$0x1D440];
	v7 =	vadd.s32 $0x4E20, v7  }
0x42: {  	v4 =	vld.idx.msk [tilespmem:v4+s8+$0x0], $0xffff  }
0x43: {  	v6 =	vadd.s32 $0x61A8, v6;
	v2 =	vadd.f32 v2, v8  }
0x44: {  	v5 =	vld.idx.msk [tilespmem:v5+s8+$0x0], $0xffff  }
0x45: {  	v60 =	vadd.s32 $0x7530, v9;
	v2 =	vadd.f32 v3, v2  }
0x46: {  	v3 =	vld.idx.msk [tilespmem:v7+s8+$0x0], $0xffff  }
0x47: {  	v61 =	vadd.s32 $0x88B8, v10;
	v2 =	vadd.f32 v4, v2  }
0x48: {  	v62 =	vld.idx.msk [tilespmem:v6+s8+$0x0], $0xffff  }
0x49: {  	v2 =	vadd.f32 v5, v2  }
0x4a: {  	v63 =	vld.idx.msk [tilespmem:v60+s8+$0x0], $0xffff  }
0x4b: {  	v2 =	vadd.f32 v3, v2  }
0x4c: {  	v3 =	vld.idx.msk [tilespmem:v61+s8+$0x0], $0xffff  }
0x4d: {  	s16 =	sadd.s32 $0x1, s16;
	v2 =	vadd.f32 v62, v2  }
0x4e: {  	p0 =	sne.s32 s16, $0x20  }
.Ltmp2:
0x4f: {  	v2 =	vadd.f32 v63, v2;
	(pc) =	sbr.rel @p0 .LBB2_5-.Ltmp2, $3  }
0x50: {  	_ = 	snop  }
0x51: {  	v2 =	vadd.f32 v3, v2;
	_ =	sdelay $0x1  }
0x52: {  	s15 =	sadd.s32 $0x800, s15;
	[tilespmem:v1+s17+$0x0 ss:$0x1] =	vst.idx.msk $0xffff, v2  }
0x53: {  	s13 =	sadd.s32 $0x1, s13  }
0x54: {  	p0 =	sne.s32 s13, $0x10  }
.Ltmp3:
0x55: {  	_ = 	snop;
	(pc) =	sbr.rel @p0 .LBB2_4-.Ltmp3, $1  }
0x56: {  	_ =	sdelay $0x3  }
0x57: {  	v1 =	vld [tilespmem:$0x0];
	_ =	sdelay $0x3  }
0x58: {  	s13 =	simm.s32 $0x0  }
0x59: {  	s12 =	simm.s32 $0x40;
	v3 =	vld [tilespmem:s13+$0x0];
	v2 =	vmov v1  }
.LBB2_10:
0x5a: {  	p0 =	sne.s32 s12, $0x3FFC0  }
.Ltmp4:
0x5b: {  	_ = 	snop;
	(pc) =	sbr.rel @p0 .LBB2_10-.Ltmp4, $3  }
0x5c: {  	_ =	sdelay $0x1  }
0x5d: {  	s13 =	sshra.s32 s12, $0x2;
	s12 =	sadd.s32 $0x40, s12;
	v1 =	vmin.f32 v1, v3;
	v2 =	vmax.f32 v2, v3  }
0x5e: {  	v3 =	vld [tilespmem:s13+$0x0]  }
0x5f: {  	_ =	sdelay $0x3  }
0x60: {  	v1 =	vmin.f32 v1, v3  }
0x61: {  	v2 =	vmax.f32 v2, v3;
	(xrf0) =	vmin.scan.msk.f32 $0xffff, v1  }
0x62: {  	(xrf0) =	vmax.scan.msk.f32 $0xffff, v2;
	_ =	sdelay $0x4  }
0x63: {  	v1, _, _ =	vpop (xrf0)  }
0x64: {  	(v2sf) =	vpush v1, $0xF;
	v2, _, _ =	vpop (xrf0)  }
0x65: {  	(v2sf) =	vpush v2, $0xF;
	_ =	sdelay $0xd  }
0x66: {  	s12 =	spop (v2sf)  }
0x67: {  	s13 =	spop (v2sf)  }
0x68: {  	s12 =	ssub.f32 s13, s12;
	_ =	sdelay $0x1  }
0x69: {  	v2 =	vmov s12  }
0x6a: {  	(erf) = vrcp.f32 v2;
	_ =	sdelay $0x8  }
0x6b: {  	v1 =	vbroadcast v1, $0xF;
	s13 =	simm.s32 $0x40;
	s12 =	simm.s32 $0x0;
	v2 =	vpop (erf)  }
.LBB2_12:
0x6c: {  	p0 =	sne.s32 s13, $0x3FFC0;
	v3 =	vld [tilespmem:s12+$0x0];
	_ =	sdelay $0x4  }
.Ltmp5:
0x6d: {  	v3 =	vsub.f32 v3, v1;
	(pc) =	sbr.rel @p0 .LBB2_12-.Ltmp5, $3  }
0x6e: {  	_ = 	snop  }
0x6f: {  	v3 =	vmul.f32 v3, v2;
	_ =	sdelay $0x1  }
0x70: {  	[tilespmem:s12+$0x0] =	vst v3;
	s12 =	sshra.s32 s13, $0x2;
	s13 =	sadd.s32 $0x40, s13  }
0x71: {  	v3 =	vld [tilespmem:s12+$0x0];
	_ =	sdelay $0x4  }
0x72: {  	v1 =	vsub.f32 v3, v1;
	_ =	sdelay $0x1  }
0x73: {  	s11 =	sadd.s32 $0x1, s11;
	v1 =	vmul.f32 v1, v2  }
0x74: {  	p0 =	sne.s32 s11, s7  }
.Ltmp6:
0x75: {  	[tilespmem:s12+$0x0] =	vst v1;
	(pc) =	sbr.rel @p0 .LBB2_1-.Ltmp6, $4  }
0x76: {  	[hbm4b:s6+s2] =	stream.linear.scatter [tilespmem:s2], [sflag:$0x1], $0x10000, $0x38;
	[tilespmem:$0x1DC40] =	vst v63  }
0x77: {  	_ =	swait.ge [sflag:s9], $0x10000  }
0x78: {  	[sflag:s9] =	ssyncset.done $0x0  }
0x79: {  	[sflag:s9] =	ssyncadd.s32 $0xFFFF0000  }
0x7a: {  	_ =	sfence.sel $0x180000  }
0x7b: {  	[bflag:$0x0] =	sbarrier.arrive $0xFFFF  }
0x7c: {  	p0 =	sne.s32 s1, $0x0;
	_ =	strace $0x9000004A  }
0x7d: {  	s0 =	sadd.s32 @!p0 $0x100000, s0;
	[bflag:$0x2] =	sbarrier.arrive $0xFFFF  }
0x7e: {  	[sflag:s0] =	ssyncadd.tile.s32 @!p0 $0x1;
	_ =	shalt  }
.Lfunc_end2:
_tile_overlayer_lowered:
.L_overlay_start_2:
0x7f: {  	(tag) =	ssettag $0x2  }
0x80: {  	s0 =	rddreg [dreg:$0x0];
	s2 =	stileid.u32  }
0x81: {  	s1 =	rddreg [dreg:$0x1];
	p0 =	sne.s32 s2, $0x0  }
0x82: {  	s3 =	rddreg [dreg:$0x2];
	[bflag:$0x3] =	sbarrier.arrive $0xFFFF;
	s2 =	simm.s32 @!p0 $0x1C01  }
0x83: {  	[timem:s3], [sflag:s2] =	dma.local @!p0 [hbm:s0], s1  }
0x84: {  	s0 =	simm.s32 @!p0 $0x1  }
0x85: {  	_ =	swait.ge @!p0 [sflag:s0], s1  }
0x86: {  	s1 =	ssub.s32 @!p0 $0x0, s1;
	[sflag:s0] =	ssyncset.done @!p0 $0x0  }
0x87: {  	[sflag:s0] =	ssyncadd.s32 @!p0 s1  }
0x88: {  	[bflag:$0x3] =	sbarrier.arrive $0xFFFF  }
0x89: {  	_ =	shalt  }

// kernel: sparse-core-data-format-call.cloned.1.call-start
scs
called_computation_lowered:
.L_overlay_start_0:
0x0: {  	s1 =	sld [smem:$0x3FD9]  }
0x1: {  	s2 =	sld [smem:$0x3FFE];
	_ =	sdelay $0x1  }
0x2: {  	s3 =	srdreg.scid  }
0x3: {  	s0 =	sand.u32 $0x1, s3  }
0x4: {  	s17 =	sshll.u32 s0, $0xA;
	s1 =	sadd.s32 s2, s1  }
0x5: {  	s1 =	sadd.s32 s1, s17  }
0x6: {  	[smem:$0x3FC6] =	sst s1  }
0x7: {  	_ = 	snop  }
0x8: {  	(tm) =	ssettm $0x1  }
0x9: {  	s18 =	sld [smem:$0x3FFB];
	_ =	sdelay $0x3  }
0xa: {  	_ =	strace s18  }
0xb: {  	s1 =	sld [smem:$0x3FFC];
	_ =	sdelay $0x3  }
0xc: {  	_ =	strace s1  }
0xd: {  	s1 =	sld [smem:$0x3FFD];
	_ =	sdelay $0x3  }
0xe: {  	_ =	strace s1  }
0xf: {  	_ =	strace $0x8FFFFFFF  }
0x10: {  	s19 =	sld [smem:$0x3FDB];
	_ =	sdelay $0x1  }
0x11: {  	s20 =	simm.s32 $_scs_section_size  }
0x12: {  	s4 =	simm.s32 $_size__tile_overlayer_lowered;
	s5 =	simm.s32 $_tile_overlayer_lowered  }
0x13: {  	s23 =	simm.s32 $0x1BFF;
	s22 =	sshll.u32 s5, $0x1;
	s1 =	sadd.s32 s20, s19  }
0x14: {  	s6 =	simm.s32 $0x0;
	s21 =	sshll.u32 s4, $0x1;
	s4 =	sadd.s32 s22, s1  }
0x15: {  	[timem:s6], [sflag:s23] =	dma.local [hbm:s4], s21  }
0x16: {  	_ =	swait.ge [sflag:s23], s21  }
0x17: {  	s2 =	ssub.s32 $0x0, s21;
	[sflag:s23] =	ssyncset.done $0x0  }
0x18: {  	[sflag:s23] =	ssyncadd.s32 s2;
	_ =	sdelay $0x1  }
0x19: {  	s24 =	simm.s32 $0x1B8B  }
0x1a: {  	_ =	swait.ge [sflag:s24], $0x1  }
0x1b: {  	[sflag:s24] =	ssyncset.done $0x0  }
0x1c: {  	s26 =	simm.s32 $0x1B8E;
	s25 =	sld [smem:$0x3FFE];
	[sflag:s24] =	ssyncadd.s32 $0xFFFFFFFF  }
0x1d: {  	s27 =	simm.s32 $execute0_lowered;
	[smem:$0x3FD2] =	sst s26  }
0x1e: {  	s4 =	sshll.u32 s27, $0x1;
	_ =	strace $0x80000046;
	[dreg:$0x1] =	wrdreg $0xFFFFFFFF  }
0x1f: {  	s28 =	simm.s32 $_size_execute0_lowered;
	s1 =	sadd.s32 s1, s4;
	[dreg:$0x0] =	wrdreg $0x0  }
0x20: {  	s4 =	sshll.u32 s28, $0x1;
	[dreg:$0x2] =	wrdreg s1  }
0x21: {  	[dreg:$0x3] =	wrdreg s4  }
0x22: {  	[dreg:$0x4] =	wrdreg $0xC0  }
0x23: {  	_ =	task [dreg:s6], $0x5FFFF  }
0x24: {  	[dreg:$0x1] =	wrdreg $0xFFFFFFFF  }
0x25: {  	[dreg:$0x0] =	wrdreg $0x60  }
0x26: {  	[dreg:$0x2] =	wrdreg s25  }
0x27: {  	[dreg:$0x3] =	wrdreg $0x9  }
0x28: {  	_ =	task.clear_ibuf [dreg:s6], $0x4FFFF;
	_ =	strace $0x90000046  }
0x29: {  	s29 =	simm.s32 $0x9;
	_ =	strace $0x80000048  }
0x2a: {  	_ =	swait.ge [sflag:s29], $0x1  }
0x2b: {  	[sflag:s29] =	ssyncadd.s32 $0xFFFFFFFF  }
0x2c: {  	_ =	strace $0x90000048  }
0x2d: {  	_ =	sfence  }
0x2e: {  	s30 =	sld [smem:$0x0];
	_ =	sdelay $0x2  }
0x2f: {  	s31 =	sshll.u32 s3, $0xD;
	s3 =	sshrl.u32 s3, $0x2  }
0x30: {  	s2 =	sand.u32 $0x4000, s31;
	s1 =	sadd.s32 s3, s30  }
0x31: {  	s0 =	sor.u32 s2, s0;
	s1 =	sshll.u32 s1, $0x11  }
0x32: {  	s0 =	sor.u32 s1, s0  }
0x33: {  	s0 =	sadd.s32 $0x8F2B, s0  }
0x34: {  	[sflag:s0] =	ssyncadd.remote.s32 $0x1  }
0x35: {  	_ =	sfence.sel $0xFFFF  }
0x36: {  	[dreg:$0x0] =	wrdreg $0xFFFFFFFF;
	(pc) =	sbr.abs _section_cstart, $3  }
0x37: {  	[dreg:$0x1] =	wrdreg $0xFFFFFFFF  }
0x38: {  	_ =	task.clear_ibuf [dreg:s6], $0x2FFFF;
	_ =	strace $0x9FFFFFFF  }
0x39: {  	(tm) =	ssettm $0x7FFFFFFF  }
tec
execute0_lowered:
.L_overlay_start_1:
0x0: {  	(tag) =	ssettag $0x1  }
0x1: {  	s0 =	srdreg.scid  }
0x2: {  	s1 =	sshll.u32 s0, $0x4  }
0x3: {  	s4 =	rddreg [dreg:$0x0];
	s0 =	stileid.u32;
	s1 =	sand.u32 $0x10, s1  }
0x4: {  	s7 =	simm.s32 $0x1;
	s8 =	simm.s32 $0x2;
	s1 =	sor.u32 s0, s1  }
0x5: {  	s9 =	simm.s32 $0x0;
	s12 =	simm.s32 $0x0;
	s2 =	sshll.u32 s1, $0x3  }
0x6: {  	s11 =	simm.s32 $0x0;
	s3 =	sadd.s32 $0xC00, s4;
	s6 =	ssub.s32 $0x1000, s2  }
.Ltmp0:
0x7: {  	s4 =	sadd.s32 $0x100C00, s4;
	s5 =	sand.u32 $0xF8, s6;
	(pc) =	sbr.rel .LBB1_1-.Ltmp0, $4  }
0x8: {  	s1 =	rddreg [dreg:$0x1];
	_ =	strace $0x80000047;
	p0 =	sne.s32 s5, $0x0  }
0x9: {  	s6 =	sshrl.u32 s6, $0x8;
	s5 =	simm.s32 $0x1;
	s7 =	simm.s32 @!p0 $0x0  }
0xa: {  	s10 =	smov.u32 s2;
	[sflag:s5] =	ssyncpa.u1 $0x0;
	s6 =	sadd.s32 s7, s6  }
0xb: {  	[sflag:s8] =	ssyncpa.u1 $0x0;
	s8 =	simm.s32 $0x0;
	s7 =	sadd.s32 $0x1, s6  }
.LBB1_9:
0xc: {  	s14 =	sadd.s32 $0x100, s10  }
0xd: {  	p1 =	sgt.s32 s14, $0xFFF  }
0xe: {  	s14 =	smov.u32 @p1 s2;
	p1 =	sne.s32 s11, s7  }
.Ltmp1:
0xf: {  	p0 =	slt.u32 s11, $0x2;
	(pc) =	sbr.rel @!p1 .LBB1_10-.Ltmp1, $4  }
0x10: {  	s13 =	simm.s32 @!p0 $0x2  }
0x11: {  	s15 =	sadd.s32 $0x1, s11;
	_ =	swait.ge @!p0 [sflag:s13], $0x4000  }
0x12: {  	s12 =	smov.u32 s10;
	s9 =	sadd.s32 $0x4000, s9;
	[sflag:s13] =	ssyncset.done @!p0 $0x0  }
0x13: {  	s11 =	smov.u32 s15;
	s10 =	smov.u32 s14;
	[sflag:s13] =	ssyncadd.s32 @!p0 $0xFFFFC000  }
.LBB1_1:
0x14: {  	p0 =	sge.u32 s11, s6  }
0x15: {  	s13 =	sxor.u32 @!p0 $0xFFFFFFFF, s11  }
0x16: {  	s31 =	sadd.s32 $0xFFFFFFFF, s11;
	s14 =	sshll.u32 @!p0 s10, $0x8;
	s13 =	sshll.u32 @!p0 s13, $0xE  }
0x17: {  	s15 =	simm.s32 @!p0 $0x0;
	s14 =	sadd.s32 @!p0 s3, s14;
	s13 =	sand.u32 @!p0 $0x4000, s13  }
0x18: {  	[tilespmem:s13], [sflag:$0x1] =	stream.linear.gather @!p0 [hbm4b:s14+s15], $0x4000, $0x38;
	[tilespmem:$0x10000] =	vst v63  }
0x19: {  	p0 =	sge.u32 s31, s6  }
.Ltmp2:
0x1a: {  	_ = 	snop;
	(pc) =	sbr.rel @p0 .LBB1_9-.Ltmp2, $1  }
0x1b: {  	_ =	sdelay $0x3  }
0x1c: {  	s13 =	sshll.u32 s9, $0x2;
	_ =	swait.ge [sflag:s5], $0x4000;
	s14 =	sshll.u32 s11, $0xE  }
0x1d: {  	s16 =	simm.s32 $0x0;
	s17 =	simm.s32 $0x0;
	s15 =	sand.u32 $0x10000, s13  }
0x1e: {  	[sflag:s5] =	ssyncset.done $0x0;
	s31 =	sand.u32 $0x4000, s14;
	s14 =	sshrl.u32 s15, $0x2  }
0x1f: {  	[sflag:s5] =	ssyncadd.s32 $0xFFFFC000;
	s13 =	sor.u32 $0x8000, s31;
	s15 =	sor.u32 $0x8000, s14  }
.LBB1_3:
0x20: {  	s18 =	sshra.s32 s16, $0x2  }
0x21: {  	v0 =	vmov s18;
	_ =	sdelay $0x3  }
0x22: {  	p1 =	por $0x1, $0x1;
	s18 =	simm.s32 $0x0  }
.LBB1_4:
0x23: {  	_ = 	snop  }
0x24: {  	s19 =	sshll.u32 s18, $0xA  }
0x25: {  	s19 =	sand.u32 $0x3FFFFC00, s19  }
0x26: {  	s19 =	sadd.s32 s19, s14  }
0x27: {  	v5 =	vld.idx.msk [tilespmem:v0+s19+$0x70 ss:$0x1], $0xffff  }
0x28: {  	v6 =	vld.idx.msk [tilespmem:v0+s19+$0x10 ss:$0x1], $0xffff  }
0x29: {  	v7 =	vld.idx.msk [tilespmem:v0+s19+$0x20 ss:$0x1], $0xffff  }
0x2a: {  	s31 =	sshll.u32 s18, $0x7;
	v1 =	vld.idx.msk [tilespmem:v0+s19+$0x30 ss:$0x1], $0xffff  }
0x2b: {  	s18 =	sand.u32 $0x3FFFFF80, s31;
	v2 =	vld.idx.msk [tilespmem:v0+s19+$0x40 ss:$0x1], $0xffff  }
0x2c: {  	s18 =	sadd.s32 s18, s15;
	v3 =	vld.idx.msk [tilespmem:v0+s19+$0x50 ss:$0x1], $0xffff  }
0x2d: {  	v4 =	vld.idx.msk [tilespmem:v0+s19+$0x60 ss:$0x1], $0xffff;
	[tilespmem:v0+s18+$0x70 ss:$0x1] =	vst.idx.msk $0xffff, v5  }
0x2e: {  	v5 =	vld.idx.msk [tilespmem:v0+s19+$0x0 ss:$0x1], $0xffff;
	[tilespmem:v0+s18+$0x10 ss:$0x1] =	vst.idx.msk $0xffff, v6;
	s19 =	sadd.s32 $0x80, s19  }
0x2f: {  	p0 =	por p1, p1;
	s20 =	simm.s32 $0x6;
	[tilespmem:v0+s18+$0x20 ss:$0x1] =	vst.idx.msk $0xffff, v7;
	v6 =	vld.idx.msk [tilespmem:v0+s19+$0x70 ss:$0x1], $0xffff  }
.LBB1_5:
0x30: {  	p1 =	sne.s32 s20, $0x1;
	v7 =	vld.idx.msk [tilespmem:v0+s19+$0x10 ss:$0x1], $0xffff;
	[tilespmem:v0+s18+$0x30 ss:$0x1] =	vst.idx.msk $0xffff, v1  }
0x31: {  	v8 =	vld.idx.msk [tilespmem:v0+s19+$0x20 ss:$0x1], $0xffff;
	[tilespmem:v0+s18+$0x40 ss:$0x1] =	vst.idx.msk $0xffff, v2  }
0x32: {  	v1 =	vld.idx.msk [tilespmem:v0+s19+$0x30 ss:$0x1], $0xffff;
	[tilespmem:v0+s18+$0x50 ss:$0x1] =	vst.idx.msk $0xffff, v3  }
.Ltmp3:
0x33: {  	v2 =	vld.idx.msk [tilespmem:v0+s19+$0x40 ss:$0x1], $0xffff;
	[tilespmem:v0+s18+$0x60 ss:$0x1] =	vst.idx.msk $0xffff, v4;
	(pc) =	sbr.rel @p1 .LBB1_5-.Ltmp3, $4  }
0x34: {  	v3 =	vld.idx.msk [tilespmem:v0+s19+$0x50 ss:$0x1], $0xffff;
	[tilespmem:v0+s18+$0x0 ss:$0x1] =	vst.idx.msk $0xffff, v5;
	s18 =	sadd.s32 $0x100, s18  }
0x35: {  	v4 =	vld.idx.msk [tilespmem:v0+s19+$0x60 ss:$0x1], $0xffff;
	[tilespmem:v0+s18+$0x70 ss:$0x1] =	vst.idx.msk $0xffff, v6  }
0x36: {  	v5 =	vld.idx.msk [tilespmem:v0+s19+$0x0 ss:$0x1], $0xffff;
	[tilespmem:v0+s18+$0x10 ss:$0x1] =	vst.idx.msk $0xffff, v7;
	s19 =	sadd.s32 $0x80, s19  }
0x37: {  	s20 =	sadd.s32 $0xFFFFFFFF, s20;
	v6 =	vld.idx.msk [tilespmem:v0+s19+$0x70 ss:$0x1], $0xffff;
	[tilespmem:v0+s18+$0x20 ss:$0x1] =	vst.idx.msk $0xffff, v8  }
0x38: {  	_ =	sdelay $0x3  }
0x39: {  	[tilespmem:v0+s18+$0x30 ss:$0x1] =	vst.idx.msk $0xffff, v1  }
0x3a: {  	v1 =	vld.idx.msk [tilespmem:v0+s19+$0x10 ss:$0x1], $0xffff;
	[tilespmem:v0+s18+$0x40 ss:$0x1] =	vst.idx.msk $0xffff, v2  }
0x3b: {  	v2 =	vld.idx.msk [tilespmem:v0+s19+$0x20 ss:$0x1], $0xffff;
	[tilespmem:v0+s18+$0x50 ss:$0x1] =	vst.idx.msk $0xffff, v3  }
0x3c: {  	v61 =	vld.idx.msk [tilespmem:v0+s19+$0x40 ss:$0x1], $0xffff;
	[tilespmem:v0+s18+$0x60 ss:$0x1] =	vst.idx.msk $0xffff, v4  }
0x3d: {  	s31 =	sadd.s32 $0x100, s18;
	v62 =	vld.idx.msk [tilespmem:v0+s19+$0x50 ss:$0x1], $0xffff;
	[tilespmem:v0+s18+$0x0 ss:$0x1] =	vst.idx.msk $0xffff, v5  }
0x3e: {  	v63 =	vld.idx.msk [tilespmem:v0+s19+$0x60 ss:$0x1], $0xffff;
	[tilespmem:v0+s31+$0x70 ss:$0x1] =	vst.idx.msk $0xffff, v6  }
0x3f: {  	v3 =	vld.idx.msk [tilespmem:v0+s19+$0x30 ss:$0x1], $0xffff;
	[tilespmem:v0+s31+$0x10 ss:$0x1] =	vst.idx.msk $0xffff, v1  }
0x40: {  	v1 =	vld.idx.msk [tilespmem:v0+s19+$0x0 ss:$0x1], $0xffff;
	[tilespmem:v0+s31+$0x20 ss:$0x1] =	vst.idx.msk $0xffff, v2  }
.Ltmp4:
0x41: {  	[tilespmem:v0+s31+$0x40 ss:$0x1] =	vst.idx.msk $0xffff, v61;
	(pc) =	sbr.rel @p0 .LBB1_4-.Ltmp4, $4  }
0x42: {  	[tilespmem:v0+s31+$0x50 ss:$0x1] =	vst.idx.msk $0xffff, v62  }
0x43: {  	[tilespmem:v0+s31+$0x60 ss:$0x1] =	vst.idx.msk $0xffff, v63  }
0x44: {  	[tilespmem:v0+s31+$0x30 ss:$0x1] =	vst.idx.msk $0xffff, v3  }
0x45: {  	p1 =	por $0x0, $0x0;
	s18 =	simm.s32 $0x1;
	[tilespmem:v0+s31+$0x0 ss:$0x1] =	vst.idx.msk $0xffff, v1  }
0x46: {  	s17 =	sadd.s32 $0x1, s17  }
0x47: {  	p0 =	sne.s32 s17, $0x8  }
.Ltmp5:
0x48: {  	_ = 	snop;
	(pc) =	sbr.rel @p0 .LBB1_3-.Ltmp5, $2  }
0x49: {  	_ =	sdelay $0x2  }
0x4a: {  	s16 =	sadd.s32 $0x2000, s16  }
.Ltmp6:
0x4b: {  	(pc) =	sbr.rel .LBB1_9-.Ltmp6, $4  }
0x4c: {  	_ = 	snop  }
0x4d: {  	s12 =	sshll.u32 s12, $0x8  }
0x4e: {  	s12 =	sadd.s32 s4, s12  }
0x4f: {  	[hbm4b:s12+s8] =	stream.linear.scatter [tilespmem:s13], [sflag:$0x2], $0x4000, $0x38;
	[tilespmem:$0x10000] =	vst v63  }
.LBB1_10:
0x50: {  	_ =	sfence.sel $0x180000  }
0x51: {  	s2 =	simm.s32 $0x1;
	[bflag:$0x0] =	sbarrier.arrive $0xFFFF  }
0x52: {  	s31 =	simm.s32 $0x2;
	[sflag:s2] =	ssyncpa.u1 $0x1  }
0x53: {  	[sflag:s31] =	ssyncpa.u1 $0x1  }
0x54: {  	p0 =	sne.s32 s0, $0x0;
	_ =	strace $0x90000047  }
0x55: {  	s0 =	sadd.s32 @!p0 $0x100000, s1;
	[bflag:$0x2] =	sbarrier.arrive $0xFFFF  }
0x56: {  	[sflag:s0] =	ssyncadd.tile.s32 @!p0 $0x1;
	_ =	shalt  }
.Lfunc_end1:
_tile_overlayer_lowered:
.L_overlay_start_2:
0x57: {  	(tag) =	ssettag $0x2  }
0x58: {  	s0 =	rddreg [dreg:$0x0];
	s2 =	stileid.u32  }
0x59: {  	s1 =	rddreg [dreg:$0x1];
	p0 =	sne.s32 s2, $0x0  }
0x5a: {  	s3 =	rddreg [dreg:$0x2];
	[bflag:$0x3] =	sbarrier.arrive $0xFFFF;
	s2 =	simm.s32 @!p0 $0x1C01  }
0x5b: {  	[timem:s3], [sflag:s2] =	dma.local @!p0 [hbm:s0], s1  }
0x5c: {  	s0 =	simm.s32 @!p0 $0x1  }
0x5d: {  	_ =	swait.ge @!p0 [sflag:s0], s1  }
0x5e: {  	s1 =	ssub.s32 @!p0 $0x0, s1;
	[sflag:s0] =	ssyncset.done @!p0 $0x0  }
0x5f: {  	[sflag:s0] =	ssyncadd.s32 @!p0 s1  }
0x60: {  	[bflag:$0x3] =	sbarrier.arrive $0xFFFF  }
0x61: {  	_ =	shalt  }

</sc_bundles>
